<compile_context>
chip_gen: v7x
topology: tpu7x:2x2x1
jax: 0.10.2.dev20260603
libtpu: 0.0.44.dev20260713+nightly
codegen_flags: <defaults>
</compile_context>

<pallas_src>
import functools

import jax
import jax.numpy as jnp
from jax import lax
from jax.experimental import pallas as pl
from jax.experimental.pallas import tpu as pltpu
from jax.experimental.pallas import tpu_sc as plsc


def _sc_gather(table_a, table_b, ts):
    info = plsc.get_sparse_core_info()
    nc, ns = info.num_cores, info.num_subcores
    nw = nc * ns
    (B,) = ts.shape
    bpw = B // nw

    mesh = plsc.VectorSubcoreMesh(core_axis_name="c", subcore_axis_name="s")

    @functools.partial(
        pl.kernel,
        mesh=mesh,
        out_type=[
            jax.ShapeDtypeStruct((B,), jnp.float32),
            jax.ShapeDtypeStruct((B,), jnp.float32),
        ],
        scratch_types=[
            pltpu.VMEM((bpw,), jnp.int32),
            pltpu.VMEM((bpw,), jnp.float32),
            pltpu.VMEM((bpw,), jnp.float32),
            pltpu.SemaphoreType.DMA,
            pltpu.SemaphoreType.DMA,
        ],
    )
    def gather_k(ta_hbm, tb_hbm, ts_hbm, oa_hbm, ob_hbm,
                 idx_v, oa_v, ob_v, sem_a, sem_b):
        wid = lax.axis_index("s") * nc + lax.axis_index("c")
        base = wid * bpw
        pltpu.sync_copy(ts_hbm.at[pl.ds(base, bpw)], idx_v)
        ca = pltpu.async_copy(ta_hbm.at[idx_v], oa_v, sem_a)
        cb = pltpu.async_copy(tb_hbm.at[idx_v], ob_v, sem_b)
        ca.wait()
        cb.wait()
        pltpu.sync_copy(oa_v, oa_hbm.at[pl.ds(base, bpw)])
        pltpu.sync_copy(ob_v, ob_hbm.at[pl.ds(base, bpw)])

    return gather_k(table_a, table_b, ts)


def _make_fma_body(block_b):
    def _fma_body(x_ref, n_ref, a_ref, b_ref, o_ref):
        i = pl.program_id(0)
        a = a_ref[pl.ds(i * block_b, block_b), :]
        b = b_ref[pl.ds(i * block_b, block_b), :]
        o_ref[...] = a * x_ref[...] + b * n_ref[...]
    return _fma_body


def _tc_fma(x, n, a, b, block_b=64):
    M, W = x.shape
    return pl.pallas_call(
        _make_fma_body(block_b),
        grid=(M // block_b,),
        in_specs=[
            pl.BlockSpec((block_b, W), lambda i: (i, 0)),
            pl.BlockSpec((block_b, W), lambda i: (i, 0)),
            pl.BlockSpec((M, 1), lambda i: (0, 0)),
            pl.BlockSpec((M, 1), lambda i: (0, 0)),
        ],
        out_specs=pl.BlockSpec((block_b, W), lambda i: (i, 0)),
        out_shape=jax.ShapeDtypeStruct((M, W), jnp.float32),
    )(x, n, a, b)


def kernel(original_samples, noise, timesteps, sqrt_alphas_cumprod,
           sqrt_one_minus_alphas_cumprod):
    shape = original_samples.shape
    B = shape[0]
    ts = timesteps.astype(jnp.int32)
    a, b = _sc_gather(sqrt_alphas_cumprod, sqrt_one_minus_alphas_cumprod, ts)
    x2 = original_samples.reshape(B, -1)
    n2 = noise.reshape(B, -1)
    out = _tc_fma(x2, n2, a.reshape(B, 1), b.reshape(B, 1))
    return out.reshape(shape)

# --- scband reference (transcript-rebuilt; emitter-appended) ---
"""Pipeline reference for scband-noise-scheduler-28209345200538 (READ-ONLY COPY).

The authoritative reference and input builder live on the scoring server;
editing this copy changes nothing except your own understanding.
"""

import jax, jax.numpy as jnp
import numpy as np

NUM_TIMESTEPS = 1000
BETA_START = 1e-4
BETA_END = 0.02


def _make_schedule():
    betas = jnp.linspace(BETA_START, BETA_END, NUM_TIMESTEPS, dtype=jnp.float32)
    alphas = 1.0 - betas
    alphas_cumprod = jnp.cumprod(alphas, axis=0)
    sqrt_alphas_cumprod = jnp.sqrt(alphas_cumprod)
    sqrt_one_minus_alphas_cumprod = jnp.sqrt(1.0 - alphas_cumprod)
    return sqrt_alphas_cumprod, sqrt_one_minus_alphas_cumprod


def setup_inputs(seed: int = 0) -> dict:
    key = jax.random.key(seed)
    k1, k2, k3 = jax.random.split(key, 3)
    original_samples = jax.random.normal(k1, (1024, 4, 64, 64), dtype=jnp.float32)
    noise = jax.random.normal(k2, (1024, 4, 64, 64), dtype=jnp.float32)
    timesteps = jax.random.randint(k3, (1024,), 0, 1000, dtype=jnp.int64 if jax.config.jax_enable_x64 else jnp.int32)
    sac, somac = _make_schedule()
    return {
        "original_samples": original_samples,
        "noise": noise,
        "timesteps": timesteps,
        "sqrt_alphas_cumprod": sac,
        "sqrt_one_minus_alphas_cumprod": somac,
    }


def reference(original_samples, noise, timesteps, sqrt_alphas_cumprod, sqrt_one_minus_alphas_cumprod):
    # gather per-sample schedule coefficients (embedding lookup into 1000-row tables)
    sqrt_alpha_prod = jnp.take(sqrt_alphas_cumprod, timesteps, axis=0).reshape(-1)
    sqrt_one_minus_alpha_prod = jnp.take(sqrt_one_minus_alphas_cumprod, timesteps, axis=0).reshape(-1)
    # broadcast to sample rank
    while sqrt_alpha_prod.ndim < original_samples.ndim:
        sqrt_alpha_prod = sqrt_alpha_prod[..., None]
        sqrt_one_minus_alpha_prod = sqrt_one_minus_alpha_prod[..., None]
    return sqrt_alpha_prod * original_samples + sqrt_one_minus_alpha_prod * noise

if __name__ == "__main__":
    import jax
    _d = setup_inputs()
    print(jax.jit(kernel)(*tuple(_d.values())))

</pallas_src>

<mosaic_0001>
#map = affine_map<(d0, d1) -> (0)>
module attributes {stable_mosaic.version = 14 : i64} {
  func.func @gather_k(%arg0: i32, %arg1: i32, %arg2: memref<1000xf32, #tpu.memory_space<hbm>>, %arg3: memref<1000xf32, #tpu.memory_space<hbm>>, %arg4: memref<1024xi32, #tpu.memory_space<hbm>>, %arg5: memref<1024xf32, #tpu.memory_space<hbm>>, %arg6: memref<1024xf32, #tpu.memory_space<hbm>>, %arg7: memref<32xi32, #tpu.memory_space<vmem>>, %arg8: memref<32xf32, #tpu.memory_space<vmem>>, %arg9: memref<32xf32, #tpu.memory_space<vmem>>, %arg10: memref<!tpu.dma_semaphore, #tpu.memory_space<semaphore_mem>>, %arg11: memref<!tpu.dma_semaphore, #tpu.memory_space<semaphore_mem>>) attributes {dimension_semantics = [#tpu.dimension_semantics<core_parallel>, #tpu.dimension_semantics<subcore_parallel>], iteration_bounds = array<i64: 2, 16>, scalar_prefetch = 0 : i64, scratch_operands = 5 : i64, tpu.core_type = #tpu.core_type<sc_vector_subcore>, window_params = [{transform_indices = #map}, {transform_indices = #map}, {transform_indices = #map}, {transform_indices = #map}, {transform_indices = #map}]} {
    %mul3A = arith.constant 2 : i32
    %mul3A_0 = arith.muli %arg1, %mul3A : i32
    %add3A = arith.addi %mul3A_0, %arg0 : i32
    %mul3A_1 = arith.constant 32 : i32
    %mul3A_2 = arith.muli %add3A, %mul3A_1 : i32
    "tpu.region"() ({
      %run_scoped3A = tpu.sem_alloc : memref<!tpu.dma_semaphore, #tpu.memory_space<semaphore_mem>>
      %dma_start3A_9 = tpu.memref_slice %arg4[%mul3A_2] : memref<1024xi32, #tpu.memory_space<hbm>> -> memref<32xi32, #tpu.memory_space<hbm>>
      %dma_start3A_10 = tpu.memref_slice %arg4[%mul3A_2] : memref<1024xi32, #tpu.memory_space<hbm>> -> memref<32xi32, #tpu.memory_space<hbm>>
      tpu.enqueue_dma source(%dma_start3A_10 : memref<32xi32, #tpu.memory_space<hbm>>) target(%arg7 : memref<32xi32, #tpu.memory_space<vmem>>) target_semaphore(%run_scoped3A : memref<!tpu.dma_semaphore, #tpu.memory_space<semaphore_mem>>)
      %dma_wait3A_11 = tpu.memref_slice %arg4[%mul3A_2] : memref<1024xi32, #tpu.memory_space<hbm>> -> memref<32xi32, #tpu.memory_space<hbm>>
      %dma_wait3A_12 = tpu.memref_slice %arg4[%mul3A_2] : memref<1024xi32, #tpu.memory_space<hbm>> -> memref<32xi32, #tpu.memory_space<hbm>>
      tpu.wait_dma2 semaphore(%run_scoped3A : memref<!tpu.dma_semaphore, #tpu.memory_space<semaphore_mem>>) src(%dma_wait3A_12 : memref<32xi32, #tpu.memory_space<hbm>>) dst(%arg7 : memref<32xi32, #tpu.memory_space<vmem>>)
      tpu.yield
    }) : () -> ()
    %dma_start3A = arith.constant 0 : i32
    %dma_start3A_3 = tpu.memref_slice %arg2[%dma_start3A] : memref<1000xf32, #tpu.memory_space<hbm>> -> memref<1000xf32, #tpu.memory_space<hbm>>
    tpu.enqueue_indirect_dma source(%dma_start3A_3 : memref<1000xf32, #tpu.memory_space<hbm>>) target(%arg8 : memref<32xf32, #tpu.memory_space<vmem>>) offsets(%arg7 : memref<32xi32, #tpu.memory_space<vmem>>) semaphore(%arg10 : memref<!tpu.dma_semaphore, #tpu.memory_space<semaphore_mem>>)
    %dma_start3A_4 = arith.constant 0 : i32
    %dma_start3A_5 = tpu.memref_slice %arg3[%dma_start3A_4] : memref<1000xf32, #tpu.memory_space<hbm>> -> memref<1000xf32, #tpu.memory_space<hbm>>
    tpu.enqueue_indirect_dma source(%dma_start3A_5 : memref<1000xf32, #tpu.memory_space<hbm>>) target(%arg9 : memref<32xf32, #tpu.memory_space<vmem>>) offsets(%arg7 : memref<32xi32, #tpu.memory_space<vmem>>) semaphore(%arg11 : memref<!tpu.dma_semaphore, #tpu.memory_space<semaphore_mem>>)
    %dma_wait3A = arith.constant 0 : i32
    %dma_wait3A_6 = tpu.memref_slice %arg2[%dma_wait3A] : memref<1000xf32, #tpu.memory_space<hbm>> -> memref<1000xf32, #tpu.memory_space<hbm>>
    tpu.wait_indirect_dma semaphore(%arg10 : memref<!tpu.dma_semaphore, #tpu.memory_space<semaphore_mem>>) src(%dma_wait3A_6 : memref<1000xf32, #tpu.memory_space<hbm>>) dst(%arg8 : memref<32xf32, #tpu.memory_space<vmem>>)
    %dma_wait3A_7 = arith.constant 0 : i32
    %dma_wait3A_8 = tpu.memref_slice %arg3[%dma_wait3A_7] : memref<1000xf32, #tpu.memory_space<hbm>> -> memref<1000xf32, #tpu.memory_space<hbm>>
    tpu.wait_indirect_dma semaphore(%arg11 : memref<!tpu.dma_semaphore, #tpu.memory_space<semaphore_mem>>) src(%dma_wait3A_8 : memref<1000xf32, #tpu.memory_space<hbm>>) dst(%arg9 : memref<32xf32, #tpu.memory_space<vmem>>)
    "tpu.region"() ({
      %run_scoped3A = tpu.sem_alloc : memref<!tpu.dma_semaphore, #tpu.memory_space<semaphore_mem>>
      %dma_start3A_9 = tpu.memref_slice %arg5[%mul3A_2] : memref<1024xf32, #tpu.memory_space<hbm>> -> memref<32xf32, #tpu.memory_space<hbm>>
      %dma_start3A_10 = tpu.memref_slice %arg5[%mul3A_2] : memref<1024xf32, #tpu.memory_space<hbm>> -> memref<32xf32, #tpu.memory_space<hbm>>
      tpu.enqueue_dma source(%arg8 : memref<32xf32, #tpu.memory_space<vmem>>) target(%dma_start3A_10 : memref<32xf32, #tpu.memory_space<hbm>>) target_semaphore(%run_scoped3A : memref<!tpu.dma_semaphore, #tpu.memory_space<semaphore_mem>>)
      %dma_wait3A_11 = tpu.memref_slice %arg5[%mul3A_2] : memref<1024xf32, #tpu.memory_space<hbm>> -> memref<32xf32, #tpu.memory_space<hbm>>
      %dma_wait3A_12 = tpu.memref_slice %arg5[%mul3A_2] : memref<1024xf32, #tpu.memory_space<hbm>> -> memref<32xf32, #tpu.memory_space<hbm>>
      tpu.wait_dma2 semaphore(%run_scoped3A : memref<!tpu.dma_semaphore, #tpu.memory_space<semaphore_mem>>) src(%arg8 : memref<32xf32, #tpu.memory_space<vmem>>) dst(%dma_wait3A_12 : memref<32xf32, #tpu.memory_space<hbm>>)
      tpu.yield
    }) : () -> ()
    "tpu.region"() ({
      %run_scoped3A = tpu.sem_alloc : memref<!tpu.dma_semaphore, #tpu.memory_space<semaphore_mem>>
      %dma_start3A_9 = tpu.memref_slice %arg6[%mul3A_2] : memref<1024xf32, #tpu.memory_space<hbm>> -> memref<32xf32, #tpu.memory_space<hbm>>
      %dma_start3A_10 = tpu.memref_slice %arg6[%mul3A_2] : memref<1024xf32, #tpu.memory_space<hbm>> -> memref<32xf32, #tpu.memory_space<hbm>>
      tpu.enqueue_dma source(%arg9 : memref<32xf32, #tpu.memory_space<vmem>>) target(%dma_start3A_10 : memref<32xf32, #tpu.memory_space<hbm>>) target_semaphore(%run_scoped3A : memref<!tpu.dma_semaphore, #tpu.memory_space<semaphore_mem>>)
      %dma_wait3A_11 = tpu.memref_slice %arg6[%mul3A_2] : memref<1024xf32, #tpu.memory_space<hbm>> -> memref<32xf32, #tpu.memory_space<hbm>>
      %dma_wait3A_12 = tpu.memref_slice %arg6[%mul3A_2] : memref<1024xf32, #tpu.memory_space<hbm>> -> memref<32xf32, #tpu.memory_space<hbm>>
      tpu.wait_dma2 semaphore(%run_scoped3A : memref<!tpu.dma_semaphore, #tpu.memory_space<semaphore_mem>>) src(%arg9 : memref<32xf32, #tpu.memory_space<vmem>>) dst(%dma_wait3A_12 : memref<32xf32, #tpu.memory_space<hbm>>)
      tpu.yield
    }) : () -> ()
    return
  }
}

module attributes {stable_mosaic.version = 14 : i64} {
  func.func @_fma_body(%arg0: i32, %arg1: memref<64x16384xf32, #tpu.memory_space<vmem>>, %arg2: memref<64x16384xf32, #tpu.memory_space<vmem>>, %arg3: memref<1024x1xf32, #tpu.memory_space<vmem>>, %arg4: memref<1024x1xf32, #tpu.memory_space<vmem>>, %arg5: memref<64x16384xf32, #tpu.memory_space<vmem>>) attributes {dimension_semantics = [#tpu.dimension_semantics<arbitrary>], iteration_bounds = array<i64: 16>, scalar_prefetch = 0 : i64, scratch_operands = 0 : i64, tpu.core_type = #tpu.core_type<tc>, window_params = [{transform_indices = @transform_0, window_bounds = array<i64: 64, 16384>}, {transform_indices = @transform_1, window_bounds = array<i64: 64, 16384>}, {pipeline_mode = #tpu.pipeline_mode<synchronous>, transform_indices = @transform_2, window_bounds = array<i64: 1024, 1>}, {pipeline_mode = #tpu.pipeline_mode<synchronous>, transform_indices = @transform_3, window_bounds = array<i64: 1024, 1>}, {transform_indices = @transform_4, window_bounds = array<i64: 64, 16384>}]} {
    %mul3A = arith.constant 64 : i32
    %mul3A_0 = arith.muli %arg0, %mul3A : i32
    %get3A = arith.index_cast %mul3A_0 : i32 to index
    %get3A_1 = arith.constant 0 : index
    %get3A_2 = vector.load %arg3[%get3A, %get3A_1] : memref<1024x1xf32, #tpu.memory_space<vmem>>, vector<64x1xf32>
    %mul3A_3 = arith.constant 64 : i32
    %mul3A_4 = arith.muli %arg0, %mul3A_3 : i32
    %get3A_5 = arith.index_cast %mul3A_4 : i32 to index
    %get3A_6 = arith.constant 0 : index
    %get3A_7 = vector.load %arg4[%get3A_5, %get3A_6] : memref<1024x1xf32, #tpu.memory_space<vmem>>, vector<64x1xf32>
    %get3A_8 = arith.constant 0 : index
    %get3A_9 = arith.constant 0 : index
    %get3A_10 = vector.load %arg1[%get3A_8, %get3A_9] : memref<64x16384xf32, #tpu.memory_space<vmem>>, vector<64x16384xf32>
    %mul3A_11 = vector.broadcast %get3A_2 : vector<64x1xf32> to vector<64x16384xf32>
    %mul3A_12 = arith.mulf %mul3A_11, %get3A_10 : vector<64x16384xf32>
    %get3A_13 = arith.constant 0 : index
    %get3A_14 = arith.constant 0 : index
    %get3A_15 = vector.load %arg2[%get3A_13, %get3A_14] : memref<64x16384xf32, #tpu.memory_space<vmem>>, vector<64x16384xf32>
    %mul3A_16 = vector.broadcast %get3A_7 : vector<64x1xf32> to vector<64x16384xf32>
    %mul3A_17 = arith.mulf %mul3A_16, %get3A_15 : vector<64x16384xf32>
    %add3A = arith.addf %mul3A_12, %mul3A_17 : vector<64x16384xf32>
    %swap3A = arith.constant 0 : index
    %swap3A_18 = arith.constant 0 : index
    %swap3A_19 = vector.load %arg5[%swap3A, %swap3A_18] : memref<64x16384xf32, #tpu.memory_space<vmem>>, vector<64x16384xf32>
    tpu.vector_store %arg5[%swap3A, %swap3A_18], %add3A {strides = array<i32>} : memref<64x16384xf32, #tpu.memory_space<vmem>>, vector<64x16384xf32>,
    return
  }
  func.func @transform_0(%arg0: i32) -> (i32, i32) {
    %c0_i32 = arith.constant 0 : i32
    %c0_i32_0 = arith.constant 0 : i32
    return %arg0, %c0_i32 : i32, i32
  }
  func.func @transform_1(%arg0: i32) -> (i32, i32) {
    %c0_i32 = arith.constant 0 : i32
    %c0_i32_0 = arith.constant 0 : i32
    return %arg0, %c0_i32 : i32, i32
  }
  func.func @transform_2(%arg0: i32) -> (i32, i32) {
    %c0_i32 = arith.constant 0 : i32
    %c0_i32_0 = arith.constant 0 : i32
    %c0_i32_1 = arith.constant 0 : i32
    return %c0_i32, %c0_i32_0 : i32, i32
  }
  func.func @transform_3(%arg0: i32) -> (i32, i32) {
    %c0_i32 = arith.constant 0 : i32
    %c0_i32_0 = arith.constant 0 : i32
    %c0_i32_1 = arith.constant 0 : i32
    return %c0_i32, %c0_i32_0 : i32, i32
  }
  func.func @transform_4(%arg0: i32) -> (i32, i32) {
    %c0_i32 = arith.constant 0 : i32
    %c0_i32_0 = arith.constant 0 : i32
    return %arg0, %c0_i32 : i32, i32
  }
}

</mosaic_0001>

<sc_bundles>
// kernel: kernel.4.cloned.1.call-start
scs
__scs_entry_jumppad:
0x0: {  	(pc) =	sbr.rel $0x88, $3  }
0x1: {  	(tag) =	ssettag $0x0;
	lr =	simm.s32 $0x1  }
0x2: {  	[smem:$0x3F9C] =	sst lr;
	_ =	strace $0xD0000000  }
0x3: {  	_ = 	snop  }
0x4: {  	_ = 	snop  }
0x5: {  	_ = 	snop  }
0x6: {  	_ = 	snop  }
0x7: {  	_ = 	snop  }
__scs_overlays_trampoline_lowered:
0x8: {  	[smem:$0x3FAB] =	sst s0  }
0x9: {  	[smem:$0x3FAC] =	sst s1  }
0xa: {  	[smem:$0x3FAD] =	sst s2  }
0xb: {  	[smem:$0x3FAE] =	sst s3  }
0xc: {  	[smem:$0x3FAF] =	sst s4  }
0xd: {  	[smem:$0x3FB0] =	sst s5  }
0xe: {  	[smem:$0x3FB1] =	sst s6  }
0xf: {  	[smem:$0x3FB2] =	sst s7  }
0x10: {  	[smem:$0x3FB3] =	sst s8  }
0x11: {  	[smem:$0x3FB4] =	sst s9;
	s0 =	simm.s32 @!p0 $0x0  }
0x12: {  	s1 =	sld [smem:$0x3F9A];
	s0 =	simm.s32 @p0 $0x1  }
0x13: {  	[smem:$0x3FB5] =	sst s0;
	s0 =	simm.s32 @!p1 $0x0  }
0x14: {  	s2 =	sld [smem:$0x3F99];
	s0 =	simm.s32 @p1 $0x1  }
0x15: {  	[smem:$0x3FB6] =	sst s0;
	s0 =	simm.s32 @!p2 $0x0  }
0x16: {  	s3 =	sld [smem:$0x3FDB];
	s0 =	simm.s32 @p2 $0x1  }
0x17: {  	s4 =	simm.s32 $0x1BF5;
	[smem:$0x3FB8] =	sst s0  }
0x18: {  	s0 =	sld [smem:$0x3F9B];
	_ =	swait.ge [sflag:s4], $0x0  }
0x19: {  	s7 =	sld [smem:$0x3F9C]  }
0x1a: {  	s8 =	sadd.s32 $0xFFFFE003, lr  }
0x1b: {  	s9 =	sadd.s32 $0xFFFFFEF7, lr;
	s5 =	simm.s32 $0xFFFFFFFF;
	p2 =	slt.u32 s8, $0xFFFFF086  }
0x1c: {  	p1 =	slt.u32 s9, $0xF7A;
	s5 =	simm.s32 @!p2 $0x0  }
0x1d: {  	s5 =	simm.s32 @p1 $0x1;
	p0 =	seq.s32 s7, s2  }
0x1e: {  	s7 =	smul.u32 @!p0 $0xF7A, s2;
	p2 =	seq.s32 @!p0 s5, $0x0  }
0x1f: {  	s9 =	smul.u32 $0xF7A, s1;
	s8 =	simm.s32 @!p0 $0x1BF5;
	p2 =	por !p2, p0  }
0x20: {  	[sflag:s8] =	ssyncset.s32 @!p0 $0xFFFFF086;
	s6 =	sadd.s32 @!p0 s3, s7;
	s7 =	simm.s32 @!p0 $0x108  }
0x21: {  	s3 =	sadd.s32 s3, s9;
	s6 =	sadd.s32 @!p0 $0x88, s6;
	s7 =	simm.s32 @p2 $0x1082  }
0x22: {  	[simem:s7], [sflag:s8] =	dma.local @!p0 [hbm:s6], $0xF7A  }
0x23: {  	s9 =	sor.u32 $0xD0000000, s2;
	s6 =	simm.s32 $0x108;
	_ =	swait.ge @!p0 [sflag:s8], $0x0  }
0x24: {  	s3 =	sadd.s32 $0x88, s3;
	s6 =	simm.s32 @!p1 $0x1082;
	[sflag:s4] =	ssyncset.s32 $0xFFFFF086  }
0x25: {  	[simem:s6], [sflag:s4] =	dma.local [hbm:s3], $0xF7A  }
0x26: {  	[smem:$0x3F9C] =	sst s1;
	(tag) =	ssettag s2;
	_ =	strace s9  }
0x27: {  	s1 =	sld [smem:$0x3FAC]  }
0x28: {  	s2 =	sld [smem:$0x3FAD]  }
0x29: {  	s4 =	sld [smem:$0x3FAF]  }
0x2a: {  	p0 =	seq.s32 s5, $0x0;
	s5 =	sld [smem:$0x3FB0]  }
0x2b: {  	s6 =	sld [smem:$0x3FB1]  }
0x2c: {  	s7 =	sld [smem:$0x3FB2]  }
0x2d: {  	s3 =	simm.s32 $0x108;
	s8 =	sld [smem:$0x3FB3]  }
0x2e: {  	s3 =	simm.s32 @!p0 $0x1082;
	s9 =	sld [smem:$0x3FB4]  }
0x2f: {  	lr =	sadd.s32 s0, s3;
	s0 =	sld [smem:$0x3FAB]  }
0x30: {  	s3 =	sld [smem:$0x3FAE]  }
0x31: {  	[smem:$0x3FB7] =	sst s10  }
0x32: {  	s10 =	sld [smem:$0x3FB5];
	_ =	sdelay $0x3  }
0x33: {  	p0 =	seq.s32 s10, $0x1;
	s10 =	sld [smem:$0x3FB7];
	_ =	sdelay $0x3  }
0x34: {  	[smem:$0x3FB7] =	sst s10  }
0x35: {  	s10 =	sld [smem:$0x3FB6];
	_ =	sdelay $0x3  }
0x36: {  	p1 =	seq.s32 s10, $0x1;
	s10 =	sld [smem:$0x3FB7];
	_ =	sdelay $0x3  }
0x37: {  	[smem:$0x3FB7] =	sst s10  }
0x38: {  	s10 =	sld [smem:$0x3FB8]  }
0x39: {  	_ = 	snop;
	(pc) =	sbr.ind lr, $3  }
0x3a: {  	_ = 	snop  }
0x3b: {  	_ = 	snop  }
0x3c: {  	p2 =	seq.s32 s10, $0x1;
	s10 =	sld [smem:$0x3FB7]  }
0x3d: {  	_ =	shalt  }
0x3e: {  	_ =	shalt  }
0x3f: {  	_ =	shalt  }
0x40: {  	_ =	shalt  }
0x41: {  	_ =	shalt  }
0x42: {  	_ =	shalt  }
0x43: {  	_ =	shalt  }
0x44: {  	_ =	shalt  }
0x45: {  	_ =	shalt  }
0x46: {  	_ =	shalt  }
0x47: {  	_ =	shalt  }
0x48: {  	_ =	shalt  }
0x49: {  	_ =	shalt  }
0x4a: {  	_ =	shalt  }
0x4b: {  	_ =	shalt  }
0x4c: {  	_ =	shalt  }
0x4d: {  	_ =	shalt  }
0x4e: {  	_ =	shalt  }
0x4f: {  	_ =	shalt  }
0x50: {  	_ =	shalt  }
0x51: {  	_ =	shalt  }
0x52: {  	_ =	shalt  }
0x53: {  	_ =	shalt  }
0x54: {  	_ =	shalt  }
0x55: {  	_ =	shalt  }
0x56: {  	_ =	shalt  }
0x57: {  	_ =	shalt  }
0x58: {  	_ =	shalt  }
0x59: {  	_ =	shalt  }
0x5a: {  	_ =	shalt  }
0x5b: {  	_ =	shalt  }
0x5c: {  	_ =	shalt  }
0x5d: {  	_ =	shalt  }
0x5e: {  	_ =	shalt  }
0x5f: {  	_ =	shalt  }
0x60: {  	_ =	shalt  }
0x61: {  	_ =	shalt  }
0x62: {  	_ =	shalt  }
0x63: {  	_ =	shalt  }
0x64: {  	_ =	shalt  }
0x65: {  	_ =	shalt  }
0x66: {  	_ =	shalt  }
0x67: {  	_ =	shalt  }
0x68: {  	_ =	shalt  }
0x69: {  	_ =	shalt  }
0x6a: {  	_ =	shalt  }
0x6b: {  	_ =	shalt  }
0x6c: {  	_ =	shalt  }
0x6d: {  	_ =	shalt  }
0x6e: {  	_ =	shalt  }
0x6f: {  	_ =	shalt  }
0x70: {  	_ =	shalt  }
0x71: {  	_ =	shalt  }
0x72: {  	_ =	shalt  }
0x73: {  	_ =	shalt  }
0x74: {  	_ =	shalt  }
0x75: {  	_ =	shalt  }
0x76: {  	_ =	shalt  }
0x77: {  	_ =	shalt  }
0x78: {  	_ =	shalt  }
0x79: {  	_ =	shalt  }
0x7a: {  	_ =	shalt  }
0x7b: {  	_ =	shalt  }
0x7c: {  	_ =	shalt  }
0x7d: {  	_ =	shalt  }
0x7e: {  	_ =	shalt  }
0x7f: {  	_ =	shalt  }
0x80: {  	_ =	shalt  }
0x81: {  	_ =	shalt  }
0x82: {  	_ =	shalt  }
0x83: {  	_ =	shalt  }
0x84: {  	_ =	shalt  }
0x85: {  	_ =	shalt  }
0x86: {  	_ =	shalt  }
0x87: {  	_ =	shalt  }
.Lfunc_end0:
.L_simem_size_0:
called_computation_lowered:
.L_overlay_start_0:
0x88: {  	s2 =	sld [smem:$0x3FD9]  }
0x89: {  	s3 =	sld [smem:$0x3FFE];
	_ =	sdelay $0x1  }
0x8a: {  	s1 =	srdreg.scid  }
0x8b: {  	s0 =	sand.u32 $0x1, s1  }
0x8c: {  	s17 =	sshll.u32 s0, $0xA;
	s2 =	sadd.s32 s3, s2  }
0x8d: {  	s2 =	sadd.s32 s2, s17  }
0x8e: {  	[smem:$0x3FC3] =	sst s2  }
0x8f: {  	_ = 	snop  }
0x90: {  	s2 =	sld [smem:$0x3FC7]  }
0x91: {  	s18 =	sld [smem:$0x3FC6]  }
0x92: {  	s4 =	sld [smem:$0x3FC5];
	(tm) =	ssettm $0x1  }
0x93: {  	s5 =	sld [smem:$0x3FFB];
	_ =	sdelay $0x3  }
0x94: {  	_ =	strace s5  }
0x95: {  	s5 =	sld [smem:$0x3FFC];
	_ =	sdelay $0x3  }
0x96: {  	_ =	strace s5  }
0x97: {  	s5 =	sld [smem:$0x3FFD];
	_ =	sdelay $0x3  }
0x98: {  	_ =	strace s5  }
0x99: {  	_ =	strace $0x8FFFFFFF  }
0x9a: {  	s19 =	sld [smem:$0x3FDB];
	_ =	sdelay $0x1  }
0x9b: {  	s6 =	simm.s32 $_scs_section_size  }
0x9c: {  	s7 =	simm.s32 $_size__tile_overlayer_lowered;
	s8 =	simm.s32 $_tile_overlayer_lowered  }
0x9d: {  	s22 =	simm.s32 $0x1BFF;
	s21 =	sshll.u32 s8, $0x1;
	s5 =	sadd.s32 s6, s19  }
0x9e: {  	s9 =	simm.s32 $0x0;
	s20 =	sshll.u32 s7, $0x1;
	s7 =	sadd.s32 s21, s5  }
0x9f: {  	[timem:s9], [sflag:s22] =	dma.local [hbm:s7], s20  }
0xa0: {  	_ =	swait.ge [sflag:s22], s20  }
0xa1: {  	s6 =	ssub.s32 $0x0, s20;
	[sflag:s22] =	ssyncset.done $0x0  }
0xa2: {  	[sflag:s22] =	ssyncadd.s32 s6;
	_ =	sdelay $0x1  }
0xa3: {  	s23 =	simm.s32 $0x1B8B  }
0xa4: {  	_ =	swait.ge [sflag:s23], $0x1  }
0xa5: {  	[sflag:s23] =	ssyncset.done $0x0  }
0xa6: {  	s25 =	simm.s32 $0x1B8E;
	s24 =	sld [smem:$0x3FFE];
	[sflag:s23] =	ssyncadd.s32 $0xFFFFFFFF  }
0xa7: {  	s26 =	simm.s32 $execute0_lowered;
	[smem:$0x3FD2] =	sst s25  }
0xa8: {  	s7 =	sshll.u32 s26, $0x1;
	_ =	strace $0x80000046;
	[dreg:$0x1] =	wrdreg $0xFFFFFFFF  }
0xa9: {  	s28 =	simm.s32 $_size_execute0_lowered;
	s5 =	sadd.s32 s5, s7;
	[dreg:$0x0] =	wrdreg $0x0  }
0xaa: {  	s7 =	sshll.u32 s28, $0x1;
	[dreg:$0x2] =	wrdreg s5  }
0xab: {  	[dreg:$0x3] =	wrdreg s7  }
0xac: {  	[dreg:$0x4] =	wrdreg $0xC0  }
0xad: {  	_ =	task [dreg:s9], $0x5FFFF  }
0xae: {  	[dreg:$0x1] =	wrdreg $0xFFFFFFFF  }
0xaf: {  	[dreg:$0x0] =	wrdreg $0x60  }
0xb0: {  	[dreg:$0x2] =	wrdreg s18  }
0xb1: {  	[dreg:$0x3] =	wrdreg s4  }
0xb2: {  	[dreg:$0x4] =	wrdreg s2  }
0xb3: {  	[dreg:$0x5] =	wrdreg s24  }
0xb4: {  	[dreg:$0x6] =	wrdreg $0x9  }
0xb5: {  	_ =	task.clear_ibuf [dreg:s9], $0x7FFFF;
	_ =	strace $0x90000046  }
0xb6: {  	s29 =	simm.s32 $0x9;
	_ =	strace $0x80000048  }
0xb7: {  	_ =	swait.ge [sflag:s29], $0x1  }
0xb8: {  	[sflag:s29] =	ssyncadd.s32 $0xFFFFFFFF  }
0xb9: {  	_ =	strace $0x90000048  }
0xba: {  	_ =	sfence  }
0xbb: {  	s30 =	sld [smem:$0x0];
	_ =	sdelay $0x2  }
0xbc: {  	s31 =	sshll.u32 s1, $0xD;
	s1 =	sshrl.u32 s1, $0x2  }
0xbd: {  	s3 =	sand.u32 $0x4000, s31;
	s1 =	sadd.s32 s1, s30  }
0xbe: {  	s0 =	sor.u32 s3, s0;
	s1 =	sshll.u32 s1, $0x11  }
0xbf: {  	s0 =	sor.u32 s1, s0  }
0xc0: {  	s0 =	sadd.s32 $0x8F2B, s0  }
0xc1: {  	[sflag:s0] =	ssyncadd.remote.s32 $0x1  }
0xc2: {  	_ =	sfence.sel $0xFFFF  }
0xc3: {  	[dreg:$0x0] =	wrdreg $0xFFFFFFFF;
	(pc) =	sbr.abs _section_cstart, $3  }
0xc4: {  	[dreg:$0x1] =	wrdreg $0xFFFFFFFF  }
0xc5: {  	_ =	task.clear_ibuf [dreg:s9], $0x2FFFF;
	_ =	strace $0x9FFFFFFF  }
0xc6: {  	(tm) =	ssettm $0x7FFFFFFF  }
0xc7: {  	_ =	shalt  }
tec
execute0_lowered:
.L_overlay_start_1:
0x0: {  	(tag) =	ssettag $0x1  }
0x1: {  	s1 =	rddreg [dreg:$0x0]  }
0x2: {  	s3 =	rddreg [dreg:$0x1]  }
0x3: {  	s5 =	rddreg [dreg:$0x2]  }
0x4: {  	s12 =	rddreg [dreg:$0x3];
	s4 =	srdreg.scid  }
0x5: {  	s0 =	rddreg [dreg:$0x4];
	s2 =	stileid.u32;
	s13 =	sand.u32 $0x1, s4  }
0x6: {  	s4 =	simm.s32 $0x0;
	s6 =	sshll.u32 s2, $0x3;
	s7 =	sshll.u32 s13, $0x2  }
0x7: {  	[smem:$0x7FF] =	sst s4;
	s14 =	sor.u32 s7, s6  }
0x8: {  	_ =	strace $0x80000047;
	s6 =	sadd.s32 s5, s14;
	s5 =	simm.s32 $0x3  }
0x9: {  	[tilespmem:s4], [sflag:$0x3] =	stream.linear.gather [hbm4b:s6+s4], $0x20, $0x38;
	[tilespmem:$0x180] =	vst v63  }
0xa: {  	_ =	swait.ge [sflag:s5], $0x20  }
0xb: {  	[sflag:s5] =	ssyncset.done $0x0  }
0xc: {  	s8 =	simm.s32 $0x80;
	s7 =	simm.s32 $0x20;
	[sflag:s5] =	ssyncadd.s32 $0xFFFFFFE0  }
0xd: {  	[tilespmem:s8], [sflag:$0x1] =	stream.indirect.gather [hbm4b:s1+s7], $0x1, s4, s7, $0xb8;
	[tilespmem:$0x180] =	vst v63  }
0xe: {  	s9 =	simm.s32 $0x100;
	s10 =	simm.s32 $0x1  }
0xf: {  	[tilespmem:s9], [sflag:$0x2] =	stream.indirect.gather [hbm4b:s3+s7], $0x1, s4, s7, $0xb8;
	[tilespmem:$0x180] =	vst v63  }
0x10: {  	_ =	swait.ge [sflag:s10], $0x20  }
0x11: {  	[sflag:s10] =	ssyncset.done $0x0  }
0x12: {  	s11 =	simm.s32 $0x2;
	s13 =	ssub.s32 $0x2, s13;
	[sflag:s10] =	ssyncadd.s32 $0xFFFFFFE0  }
0x13: {  	s15 =	sshrl.u32 s13, $0x1;
	_ =	swait.ge [sflag:s11], $0x20  }
0x14: {  	s14 =	sadd.s32 s14, s12;
	s15 =	ssub.s32 s13, s15;
	[sflag:s11] =	ssyncset.done $0x0  }
0x15: {  	s12 =	sadd.s32 $0xA00, s14;
	s31 =	smax.u32 s15, $0x1;
	[sflag:s11] =	ssyncadd.s32 $0xFFFFFFE0  }
0x16: {  	[hbm4b:s12+s4] =	stream.linear.scatter [tilespmem:s8], [sflag:$0x3], $0x20, $0x38;
	[tilespmem:$0x180] =	vst v63  }
0x17: {  	p0 =	sne.s32 s31, $0x1;
	_ =	swait.ge [sflag:s5], $0x20  }
.Ltmp0:
0x18: {  	[sflag:s5] =	ssyncset.done $0x0;
	(pc) =	sbr.rel @!p0 .LBB2_2-.Ltmp0, $4  }
0x19: {  	s13 =	sadd.s32 $0x800, s14;
	[sflag:s5] =	ssyncadd.s32 $0xFFFFFFE0  }
0x1a: {  	[hbm4b:s13+s4] =	stream.linear.scatter [tilespmem:s9], [sflag:$0x3], $0x20, $0x38;
	[tilespmem:$0x180] =	vst v63  }
0x1b: {  	_ =	swait.ge [sflag:s5], $0x20  }
0x1c: {  	s14 =	sadd.s32 $0xFFFFFFFF, s31;
	[sflag:s5] =	ssyncset.done $0x0  }
.LBB2_1:
0x1d: {  	p0 =	sne.s32 s14, $0x1;
	s14 =	sadd.s32 $0xFFFFFFFF, s14;
	[sflag:s5] =	ssyncadd.s32 $0xFFFFFFE0  }
0x1e: {  	[tilespmem:s4], [sflag:$0x3] =	stream.linear.gather [hbm4b:s6+s4], $0x20, $0x38;
	[tilespmem:$0x180] =	vst v63  }
0x1f: {  	_ =	swait.ge [sflag:s5], $0x20  }
0x20: {  	[sflag:s5] =	ssyncset.done $0x0  }
0x21: {  	[sflag:s5] =	ssyncadd.s32 $0xFFFFFFE0  }
0x22: {  	[tilespmem:s8], [sflag:$0x1] =	stream.indirect.gather [hbm4b:s1+s7], $0x1, s4, s7, $0xb8;
	[tilespmem:$0x180] =	vst v63  }
0x23: {  	_ = 	snop  }
0x24: {  	[tilespmem:s9], [sflag:$0x2] =	stream.indirect.gather [hbm4b:s3+s7], $0x1, s4, s7, $0xb8;
	[tilespmem:$0x180] =	vst v63  }
0x25: {  	_ =	swait.ge [sflag:s10], $0x20  }
0x26: {  	[sflag:s10] =	ssyncset.done $0x0  }
0x27: {  	[sflag:s10] =	ssyncadd.s32 $0xFFFFFFE0  }
0x28: {  	_ =	swait.ge [sflag:s11], $0x20  }
0x29: {  	[sflag:s11] =	ssyncset.done $0x0  }
0x2a: {  	[sflag:s11] =	ssyncadd.s32 $0xFFFFFFE0  }
0x2b: {  	[hbm4b:s12+s4] =	stream.linear.scatter [tilespmem:s8], [sflag:$0x3], $0x20, $0x38;
	[tilespmem:$0x180] =	vst v63  }
0x2c: {  	_ =	swait.ge [sflag:s5], $0x20  }
.Ltmp1:
0x2d: {  	[sflag:s5] =	ssyncset.done $0x0;
	(pc) =	sbr.rel @p0 .LBB2_1-.Ltmp1, $4  }
0x2e: {  	[sflag:s5] =	ssyncadd.s32 $0xFFFFFFE0  }
0x2f: {  	[hbm4b:s13+s4] =	stream.linear.scatter [tilespmem:s9], [sflag:$0x3], $0x20, $0x38;
	[tilespmem:$0x180] =	vst v63  }
0x30: {  	_ =	swait.ge [sflag:s5], $0x20  }
0x31: {  	[sflag:s5] =	ssyncset.done $0x0  }
.LBB2_2:
0x32: {  	[sflag:s5] =	ssyncadd.s32 $0xFFFFFFE0  }
0x33: {  	_ =	sfence.sel $0x180000  }
0x34: {  	[bflag:$0x0] =	sbarrier.arrive $0xFFFF  }
0x35: {  	p0 =	sne.s32 s2, $0x0;
	_ =	strace $0x90000047  }
0x36: {  	s0 =	sadd.s32 @!p0 $0x100000, s0;
	[bflag:$0x2] =	sbarrier.arrive $0xFFFF  }
0x37: {  	[sflag:s0] =	ssyncadd.tile.s32 @!p0 $0x1;
	_ =	shalt  }
.Lfunc_end2:
_tile_overlayer_lowered:
.L_overlay_start_2:
0x38: {  	(tag) =	ssettag $0x2  }
0x39: {  	s0 =	rddreg [dreg:$0x0];
	s2 =	stileid.u32  }
0x3a: {  	s1 =	rddreg [dreg:$0x1];
	p0 =	sne.s32 s2, $0x0  }
0x3b: {  	s3 =	rddreg [dreg:$0x2];
	[bflag:$0x3] =	sbarrier.arrive $0xFFFF;
	s2 =	simm.s32 @!p0 $0x1C03  }
0x3c: {  	[timem:s3], [sflag:s2] =	dma.local @!p0 [hbm:s0], s1  }
0x3d: {  	s0 =	simm.s32 @!p0 $0x3  }
0x3e: {  	_ =	swait.ge @!p0 [sflag:s0], s1  }
0x3f: {  	s1 =	ssub.s32 @!p0 $0x0, s1;
	[sflag:s0] =	ssyncset.done @!p0 $0x0  }
0x40: {  	[sflag:s0] =	ssyncadd.s32 @!p0 s1  }
0x41: {  	[bflag:$0x3] =	sbarrier.arrive $0xFFFF  }
0x42: {  	_ =	shalt  }

</sc_bundles>
